<compile_context>
chip_gen: v7x
topology: tpu7x:2x2x1
jax: 0.10.2.dev20260603
libtpu: 0.0.44.dev20260713+nightly
codegen_flags: <defaults>
</compile_context>

<pallas_src>
import functools

import jax
import jax.numpy as jnp
from jax import lax
from jax.experimental import pallas as pl
from jax.experimental.pallas import tpu as pltpu
from jax.experimental.pallas import tpu_sc as plsc

_NUM_CORES = 2
_NUM_SUBCORES = 16
_NW = _NUM_CORES * _NUM_SUBCORES
_L = 16


def _mesh():
    return plsc.VectorSubcoreMesh(
        core_axis_name="c", subcore_axis_name="s",
        num_cores=_NUM_CORES, num_subcores=_NUM_SUBCORES,
    )


@functools.cache
def _build_planes(batch: int, p: int, d: int, p_dim: int):
    units = p_dim // 8
    u_per = units // _NW
    u_extra = units % _NW
    bg_n = batch // _L

    @functools.partial(
        pl.kernel,
        out_type=jax.ShapeDtypeStruct((p_dim, d, batch), jnp.float32),
        mesh=_mesh(),
        scratch_types=[
            pltpu.VMEM((8 * (units // _NW + 1), batch), jnp.int32),
            pltpu.VMEM((p * d,), jnp.float32),
            pltpu.VMEM((d, batch), jnp.float32),
            pltpu.VMEM((d, batch), jnp.float32),
            pltpu.SemaphoreType.DMA,
            pltpu.SemaphoreType.DMA,
        ],
        compiler_params=pltpu.CompilerParams(
            use_tc_tiling_on_sc=True, needs_layout_passes=False),
    )
    def kern(idx_hbm, table_hbm, out_hbm, idx_v, table_v, b0, b1, s0, s1):
        wid = lax.axis_index("s") * _NUM_CORES + lax.axis_index("c")
        start = pl.multiple_of(8 * (wid * u_per + jnp.minimum(wid, u_extra)), 8)
        n_planes = 8 * (u_per + jnp.where(wid < u_extra, 1, 0))
        pltpu.sync_copy(table_hbm, table_v)
        pltpu.sync_copy(idx_hbm.at[pl.ds(start, 8 * u_per)],
                        idx_v.at[pl.ds(0, 8 * u_per)])
        if u_extra:

            @pl.when(wid < u_extra)
            def _():
                pltpu.sync_copy(
                    idx_hbm.at[pl.ds(pl.multiple_of(start + 8 * u_per, 8), 8)],
                    idx_v.at[pl.ds(8 * u_per, 8)])

        def fill(row, buf):
            def gathers(iv):
                return [plsc.load_gather(table_v.at[pl.ds(l * p, p)], [iv])
                        for l in range(d)]

            def stores(u0, vals):
                for l in range(d):
                    buf[l, pl.ds(u0 * _L, _L)] = vals[l]

            @functools.partial(plsc.parallel_loop, 0, bg_n // 4)
            def bg_body(bg):
                ivs = [idx_v[row, pl.ds((bg * 4 + u) * _L, _L)]
                       for u in range(4)]
                v0 = gathers(ivs[0])
                v1 = gathers(ivs[1])
                stores(bg * 4 + 0, v0)
                v2 = gathers(ivs[2])
                stores(bg * 4 + 1, v1)
                v3 = gathers(ivs[3])
                stores(bg * 4 + 2, v2)
                stores(bg * 4 + 3, v3)

        def flush(pg, buf, s):
            pltpu.async_copy(buf, out_hbm.at[start + pg], s)

        def wait(buf, s):
            pltpu.make_async_copy(buf, out_hbm.at[0], s).wait()

        fill(0, b0)
        flush(0, b0, s0)
        fill(1, b1)
        flush(1, b1, s1)

        def body(i, carry):
            c = 2 * i
            wait(b0, s0)
            fill(c, b0)
            flush(c, b0, s0)
            wait(b1, s1)
            fill(c + 1, b1)
            flush(c + 1, b1, s1)
            return carry

        lax.fori_loop(1, n_planes // 2, body, 0)
        wait(b0, s0)
        wait(b1, s1)

    return kern


@functools.cache
def _build_rows(n_rows: int, p: int, d: int, rows_w: int, chunk: int):
    n_chunks = rows_w // chunk
    grps = chunk // _L

    @functools.partial(
        pl.kernel,
        out_type=jax.ShapeDtypeStruct((n_rows // 8, 8, d), jnp.float32),
        mesh=_mesh(),
        scratch_types=[
            pltpu.VMEM((rows_w,), jnp.int32),
            pltpu.VMEM((p * d,), jnp.float32),
            pltpu.VMEM((chunk // 8, 8, d), jnp.float32),
            pltpu.VMEM((chunk // 8, 8, d), jnp.float32),
            pltpu.SemaphoreType.DMA,
            pltpu.SemaphoreType.DMA,
        ],
        compiler_params=pltpu.CompilerParams(use_tc_tiling_on_sc=True, needs_layout_passes=False),
    )
    def kern(idx_hbm, table_hbm, out_hbm, idx_v, table_v, b0, b1, s0, s1):
        wid = lax.axis_index("s") * _NUM_CORES + lax.axis_index("c")
        base = wid * rows_w
        pltpu.sync_copy(idx_hbm.at[pl.ds(base, rows_w)], idx_v)
        pltpu.sync_copy(table_hbm, table_v)
        tchunk = chunk // 8
        tbase = base // 8

        def fill(c, b):
            def grp(j, carry):
                iv = idx_v[pl.ds(c * chunk + j * _L, _L)] * d
                for l in range(_L):
                    b[j * 2 + l // 8, l % 8, :] = table_v[pl.ds(iv[l], d)]
                return carry

            lax.fori_loop(0, grps, grp, 0)

        def flush(c, b, s):
            pltpu.async_copy(b, out_hbm.at[pl.ds(tbase + c * tchunk, tchunk)], s)

        def wait(b, s):
            pltpu.make_async_copy(b, out_hbm.at[pl.ds(tbase, tchunk)], s).wait()

        fill(0, b0)
        flush(0, b0, s0)

        def body(i, carry):
            c = 2 * i
            fill(c + 1, b1)
            flush(c + 1, b1, s1)
            wait(b0, s0)
            fill(c + 2, b0)
            flush(c + 2, b0, s0)
            wait(b1, s1)
            return carry

        lax.fori_loop(0, (n_chunks - 1) // 2, body, 0)
        if n_chunks % 2 == 0:
            fill(n_chunks - 1, b1)
            flush(n_chunks - 1, b1, s1)
            wait(b1, s1)
        wait(b0, s0)

    return kern


def kernel(coeffs, embedding):
    batch, p_dim = coeffs.shape
    p, d = embedding.shape
    if (batch % (4 * _L) == 0 and p_dim % 8 == 0
            and p_dim // 8 >= _NW and 1 <= d <= _L):
        idx = coeffs.T.astype(jnp.int32)
        table_t = embedding.T.reshape(-1)
        out = _build_planes(batch, p, d, p_dim)(idx, table_t)
        return out.transpose(2, 0, 1)
    idx = coeffs.reshape(-1).astype(jnp.int32)
    n = batch * p_dim
    chunk = 256
    quantum = _NW * chunk
    n_pad = -(-n // quantum) * quantum
    if n_pad != n:
        idx = jnp.pad(idx, (0, n_pad - n))
    rows_w = n_pad // _NW
    out = _build_rows(n_pad, p, d, rows_w, chunk)(idx, embedding.reshape(-1))
    if n_pad != n:
        out = out.reshape(n_pad, d)[:n]
    return out.reshape(batch, p_dim, d)

# --- scband reference (transcript-rebuilt; emitter-appended) ---
"""Pipeline reference for scband-field-embed-22746146800160 (READ-ONLY COPY).

The authoritative reference and input builder live on the scoring server;
editing this copy changes nothing except your own understanding.
"""

import jax, jax.numpy as jnp
import numpy as np
import math

P = 1000
EMBED_DIM = 16
BATCH = 1024

def setup_inputs(seed: int = 0) -> dict:
    key = jax.random.key(seed)
    k_idx, k_emb = jax.random.split(key)
    coeffs = jax.random.randint(k_idx, (BATCH, P), 0, P, dtype=jnp.int64 if jax.config.jax_enable_x64 else jnp.int32)
    scale = math.sqrt(1.0 / EMBED_DIM)
    embedding = jax.random.normal(k_emb, (P, EMBED_DIM), dtype=jnp.float32) * scale
    return {"coeffs": coeffs, "embedding": embedding}

def reference(coeffs, embedding):
    # Faithful translation of FieldEmbed.__call__: gather rows of the
    # (p, embed_dim) table for every field element in coeffs.
    # Output shape: (..., p, embed_dim) -> here (BATCH, P, EMBED_DIM).
    return jnp.take(embedding, coeffs, axis=0)

if __name__ == "__main__":
    import jax
    _d = setup_inputs()
    print(jax.jit(kernel)(*tuple(_d.values())))

</pallas_src>

<mosaic_0001>
#map = affine_map<(d0, d1) -> (0, 0)>
#map1 = affine_map<(d0, d1) -> (0)>
#map2 = affine_map<(d0, d1) -> (0, 0, 0)>
module attributes {stable_mosaic.version = 14 : i64} {
  func.func @kern(%arg0: i32, %arg1: i32, %arg2: memref<1000x1024xi32, #tpu.memory_space<hbm>>, %arg3: memref<16000xf32, #tpu.memory_space<hbm>>, %arg4: memref<1000x16x1024xf32, #tpu.memory_space<hbm>>, %arg5: memref<32x1024xi32, #tpu.memory_space<vmem>>, %arg6: memref<16000xf32, #tpu.memory_space<vmem>>, %arg7: memref<16x1024xf32, #tpu.memory_space<vmem>>, %arg8: memref<16x1024xf32, #tpu.memory_space<vmem>>, %arg9: memref<!tpu.dma_semaphore, #tpu.memory_space<semaphore_mem>>, %arg10: memref<!tpu.dma_semaphore, #tpu.memory_space<semaphore_mem>>) attributes {dimension_semantics = [#tpu.dimension_semantics<core_parallel>, #tpu.dimension_semantics<subcore_parallel>], iteration_bounds = array<i64: 2, 16>, scalar_prefetch = 0 : i64, scratch_operands = 6 : i64, tpu.core_type = #tpu.core_type<sc_vector_subcore>, window_params = [{transform_indices = #map}, {transform_indices = #map1}, {transform_indices = #map2}]} {
    %mul3A = arith.constant 2 : i32
    %mul3A_0 = arith.muli %arg1, %mul3A : i32
    %add3A = arith.addi %mul3A_0, %arg0 : i32
    %mul3A_1 = arith.constant 3 : i32
    %mul3A_2 = arith.muli %add3A, %mul3A_1 : i32
    %min3A = arith.constant 29 : i32
    %min3A_3 = arith.minsi %add3A, %min3A : i32
    %add3A_4 = arith.addi %mul3A_2, %min3A_3 : i32
    %mul3A_5 = arith.constant 8 : i32
    %mul3A_6 = arith.muli %mul3A_5, %add3A_4 : i32
    %multiple_of3A = tpu.assume_multiple %mul3A_6, 8 : i32
    %lt3A = arith.constant 29 : i32
    %lt3A_7 = arith.cmpi slt, %add3A, %lt3A : i32
    %jit3A = arith.constant 1 : i32
    %jit3A_8 = arith.constant 0 : i32
    %select_n3A = arith.select %lt3A_7, %jit3A, %jit3A_8 : i32
    %add3A_9 = arith.constant 3 : i32
    %add3A_10 = arith.addi %add3A_9, %select_n3A : i32
    %mul3A_11 = arith.constant 8 : i32
    %mul3A_12 = arith.muli %mul3A_11, %add3A_10 : i32
    "tpu.region"() ({
      %run_scoped3A = tpu.sem_alloc : memref<!tpu.dma_semaphore, #tpu.memory_space<semaphore_mem>>
      tpu.enqueue_dma source(%arg3 : memref<16000xf32, #tpu.memory_space<hbm>>) target(%arg6 : memref<16000xf32, #tpu.memory_space<vmem>>) target_semaphore(%run_scoped3A : memref<!tpu.dma_semaphore, #tpu.memory_space<semaphore_mem>>)
      tpu.wait_dma2 semaphore(%run_scoped3A : memref<!tpu.dma_semaphore, #tpu.memory_space<semaphore_mem>>) src(%arg3 : memref<16000xf32, #tpu.memory_space<hbm>>) dst(%arg6 : memref<16000xf32, #tpu.memory_space<vmem>>)
      tpu.yield
    }) : () -> ()
    "tpu.region"() ({
      %run_scoped3A = tpu.sem_alloc : memref<!tpu.dma_semaphore, #tpu.memory_space<semaphore_mem>>
      %dma_start3A_79 = arith.constant 0 : i32
      %dma_start3A_80 = arith.constant 0 : i32
      %dma_start3A_81 = tpu.memref_slice %arg5[%dma_start3A_79, %dma_start3A_80] : memref<32x1024xi32, #tpu.memory_space<vmem>> -> memref<24x1024xi32, #tpu.memory_space<vmem>>
      %dma_start3A_82 = arith.constant 0 : i32
      %dma_start3A_83 = tpu.memref_slice %arg2[%multiple_of3A, %dma_start3A_82] : memref<1000x1024xi32, #tpu.memory_space<hbm>> -> memref<24x1024xi32, #tpu.memory_space<hbm>>
      %dma_start3A_84 = arith.constant 0 : i32
      %dma_start3A_85 = arith.constant 0 : i32
      %dma_start3A_86 = tpu.memref_slice %arg5[%dma_start3A_84, %dma_start3A_85] : memref<32x1024xi32, #tpu.memory_space<vmem>> -> memref<24x1024xi32, #tpu.memory_space<vmem>>
      %dma_start3A_87 = arith.constant 0 : i32
      %dma_start3A_88 = tpu.memref_slice %arg2[%multiple_of3A, %dma_start3A_87] : memref<1000x1024xi32, #tpu.memory_space<hbm>> -> memref<24x1024xi32, #tpu.memory_space<hbm>>
      tpu.enqueue_dma source(%dma_start3A_88 : memref<24x1024xi32, #tpu.memory_space<hbm>>) target(%dma_start3A_86 : memref<24x1024xi32, #tpu.memory_space<vmem>>) target_semaphore(%run_scoped3A : memref<!tpu.dma_semaphore, #tpu.memory_space<semaphore_mem>>)
      %dma_wait3A_89 = arith.constant 0 : i32
      %dma_wait3A_90 = arith.constant 0 : i32
      %dma_wait3A_91 = tpu.memref_slice %arg5[%dma_wait3A_89, %dma_wait3A_90] : memref<32x1024xi32, #tpu.memory_space<vmem>> -> memref<24x1024xi32, #tpu.memory_space<vmem>>
      %dma_wait3A_92 = arith.constant 0 : i32
      %dma_wait3A_93 = tpu.memref_slice %arg2[%multiple_of3A, %dma_wait3A_92] : memref<1000x1024xi32, #tpu.memory_space<hbm>> -> memref<24x1024xi32, #tpu.memory_space<hbm>>
      %dma_wait3A_94 = arith.constant 0 : i32
      %dma_wait3A_95 = arith.constant 0 : i32
      %dma_wait3A_96 = tpu.memref_slice %arg5[%dma_wait3A_94, %dma_wait3A_95] : memref<32x1024xi32, #tpu.memory_space<vmem>> -> memref<24x1024xi32, #tpu.memory_space<vmem>>
      %dma_wait3A_97 = arith.constant 0 : i32
      %dma_wait3A_98 = tpu.memref_slice %arg2[%multiple_of3A, %dma_wait3A_97] : memref<1000x1024xi32, #tpu.memory_space<hbm>> -> memref<24x1024xi32, #tpu.memory_space<hbm>>
      tpu.wait_dma2 semaphore(%run_scoped3A : memref<!tpu.dma_semaphore, #tpu.memory_space<semaphore_mem>>) src(%dma_wait3A_98 : memref<24x1024xi32, #tpu.memory_space<hbm>>) dst(%dma_wait3A_96 : memref<24x1024xi32, #tpu.memory_space<vmem>>)
      tpu.yield
    }) : () -> ()
    %lt3A_13 = arith.constant 29 : i32
    %lt3A_14 = arith.cmpi slt, %add3A, %lt3A_13 : i32
    %convert_element_type3A = arith.extui %lt3A_14 : i1 to i32
    %cond3A = arith.constant 0 : i32
    %cond3A_15 = arith.cmpi ne, %convert_element_type3A, %cond3A : i32
    scf.if %cond3A_15 {
      %add3A_79 = arith.constant 24 : i32
      %add3A_80 = arith.addi %multiple_of3A, %add3A_79 : i32
      %multiple_of3A_81 = tpu.assume_multiple %add3A_80, 8 : i32
      "tpu.region"() ({
        %run_scoped3A = tpu.sem_alloc : memref<!tpu.dma_semaphore, #tpu.memory_space<semaphore_mem>>
        %dma_start3A_82 = arith.constant 24 : i32
        %dma_start3A_83 = arith.constant 0 : i32
        %dma_start3A_84 = tpu.memref_slice %arg5[%dma_start3A_82, %dma_start3A_83] : memref<32x1024xi32, #tpu.memory_space<vmem>> -> memref<8x1024xi32, #tpu.memory_space<vmem>>
        %dma_start3A_85 = arith.constant 0 : i32
        %dma_start3A_86 = tpu.memref_slice %arg2[%multiple_of3A_81, %dma_start3A_85] : memref<1000x1024xi32, #tpu.memory_space<hbm>> -> memref<8x1024xi32, #tpu.memory_space<hbm>>
        %dma_start3A_87 = arith.constant 24 : i32
        %dma_start3A_88 = arith.constant 0 : i32
        %dma_start3A_89 = tpu.memref_slice %arg5[%dma_start3A_87, %dma_start3A_88] : memref<32x1024xi32, #tpu.memory_space<vmem>> -> memref<8x1024xi32, #tpu.memory_space<vmem>>
        %dma_start3A_90 = arith.constant 0 : i32
        %dma_start3A_91 = tpu.memref_slice %arg2[%multiple_of3A_81, %dma_start3A_90] : memref<1000x1024xi32, #tpu.memory_space<hbm>> -> memref<8x1024xi32, #tpu.memory_space<hbm>>
        tpu.enqueue_dma source(%dma_start3A_91 : memref<8x1024xi32, #tpu.memory_space<hbm>>) target(%dma_start3A_89 : memref<8x1024xi32, #tpu.memory_space<vmem>>) target_semaphore(%run_scoped3A : memref<!tpu.dma_semaphore, #tpu.memory_space<semaphore_mem>>)
        %dma_wait3A_92 = arith.constant 24 : i32
        %dma_wait3A_93 = arith.constant 0 : i32
        %dma_wait3A_94 = tpu.memref_slice %arg5[%dma_wait3A_92, %dma_wait3A_93] : memref<32x1024xi32, #tpu.memory_space<vmem>> -> memref<8x1024xi32, #tpu.memory_space<vmem>>
        %dma_wait3A_95 = arith.constant 0 : i32
        %dma_wait3A_96 = tpu.memref_slice %arg2[%multiple_of3A_81, %dma_wait3A_95] : memref<1000x1024xi32, #tpu.memory_space<hbm>> -> memref<8x1024xi32, #tpu.memory_space<hbm>>
        %dma_wait3A_97 = arith.constant 24 : i32
        %dma_wait3A_98 = arith.constant 0 : i32
        %dma_wait3A_99 = tpu.memref_slice %arg5[%dma_wait3A_97, %dma_wait3A_98] : memref<32x1024xi32, #tpu.memory_space<vmem>> -> memref<8x1024xi32, #tpu.memory_space<vmem>>
        %dma_wait3A_100 = arith.constant 0 : i32
        %dma_wait3A_101 = tpu.memref_slice %arg2[%multiple_of3A_81, %dma_wait3A_100] : memref<1000x1024xi32, #tpu.memory_space<hbm>> -> memref<8x1024xi32, #tpu.memory_space<hbm>>
        tpu.wait_dma2 semaphore(%run_scoped3A : memref<!tpu.dma_semaphore, #tpu.memory_space<semaphore_mem>>) src(%dma_wait3A_101 : memref<8x1024xi32, #tpu.memory_space<hbm>>) dst(%dma_wait3A_99 : memref<8x1024xi32, #tpu.memory_space<vmem>>)
        tpu.yield
      }) : () -> ()
    } else {
    }
    %add3A_16 = arith.constant 0 : i32
    %add3A_17 = arith.addi %multiple_of3A, %add3A_16 : i32
    %dma_start3A = arith.constant 0 : i32
    %dma_start3A_18 = arith.constant 0 : i32
    %dma_start3A_19 = tpu.memref_slice %arg4[%add3A_17, %dma_start3A, %dma_start3A_18] : memref<1000x16x1024xf32, #tpu.memory_space<hbm>> -> memref<1x16x1024xf32, #tpu.memory_space<hbm>>
    %dma_start3A_20 = tpu.memref_squeeze %dma_start3A_19 : memref<1x16x1024xf32, #tpu.memory_space<hbm>> -> memref<16x1024xf32, #tpu.memory_space<hbm>>
    %dma_start3A_21 = arith.constant 0 : i32
    %dma_start3A_22 = arith.constant 0 : i32
    %dma_start3A_23 = tpu.memref_slice %arg4[%add3A_17, %dma_start3A_21, %dma_start3A_22] : memref<1000x16x1024xf32, #tpu.memory_space<hbm>> -> memref<1x16x1024xf32, #tpu.memory_space<hbm>>
    %dma_start3A_24 = tpu.memref_squeeze %dma_start3A_23 : memref<1x16x1024xf32, #tpu.memory_space<hbm>> -> memref<16x1024xf32, #tpu.memory_space<hbm>>
    tpu.enqueue_dma source(%arg7 : memref<16x1024xf32, #tpu.memory_space<vmem>>) target(%dma_start3A_24 : memref<16x1024xf32, #tpu.memory_space<hbm>>) target_semaphore(%arg9 : memref<!tpu.dma_semaphore, #tpu.memory_space<semaphore_mem>>)
    %add3A_25 = arith.constant 1 : i32
    %add3A_26 = arith.addi %multiple_of3A, %add3A_25 : i32
    %dma_start3A_27 = arith.constant 0 : i32
    %dma_start3A_28 = arith.constant 0 : i32
    %dma_start3A_29 = tpu.memref_slice %arg4[%add3A_26, %dma_start3A_27, %dma_start3A_28] : memref<1000x16x1024xf32, #tpu.memory_space<hbm>> -> memref<1x16x1024xf32, #tpu.memory_space<hbm>>
    %dma_start3A_30 = tpu.memref_squeeze %dma_start3A_29 : memref<1x16x1024xf32, #tpu.memory_space<hbm>> -> memref<16x1024xf32, #tpu.memory_space<hbm>>
    %dma_start3A_31 = arith.constant 0 : i32
    %dma_start3A_32 = arith.constant 0 : i32
    %dma_start3A_33 = tpu.memref_slice %arg4[%add3A_26, %dma_start3A_31, %dma_start3A_32] : memref<1000x16x1024xf32, #tpu.memory_space<hbm>> -> memref<1x16x1024xf32, #tpu.memory_space<hbm>>
    %dma_start3A_34 = tpu.memref_squeeze %dma_start3A_33 : memref<1x16x1024xf32, #tpu.memory_space<hbm>> -> memref<16x1024xf32, #tpu.memory_space<hbm>>
    tpu.enqueue_dma source(%arg8 : memref<16x1024xf32, #tpu.memory_space<vmem>>) target(%dma_start3A_34 : memref<16x1024xf32, #tpu.memory_space<hbm>>) target_semaphore(%arg10 : memref<!tpu.dma_semaphore, #tpu.memory_space<semaphore_mem>>)
    %jit3A_35 = arith.constant 2 : i32
    %div3A = arith.divsi %mul3A_12, %jit3A_35 : i32
    %sign3A = arith.constant 0 : i32
    %sign3A_36 = arith.cmpi sgt, %mul3A_12, %sign3A : i32
    %sign3A_37 = arith.extui %sign3A_36 : i1 to i32
    %sign3A_38 = arith.constant 0 : i32
    %sign3A_39 = arith.cmpi slt, %mul3A_12, %sign3A_38 : i32
    %sign3A_40 = arith.extui %sign3A_39 : i1 to i32
    %sign3A_41 = arith.subi %sign3A_37, %sign3A_40 : i32
    %sign3A_42 = arith.constant 0 : i32
    %sign3A_43 = arith.cmpi sgt, %jit3A_35, %sign3A_42 : i32
    %sign3A_44 = arith.extui %sign3A_43 : i1 to i32
    %sign3A_45 = arith.constant 0 : i32
    %sign3A_46 = arith.cmpi slt, %jit3A_35, %sign3A_45 : i32
    %sign3A_47 = arith.extui %sign3A_46 : i1 to i32
    %sign3A_48 = arith.subi %sign3A_44, %sign3A_47 : i32
    %ne3A = arith.cmpi ne, %sign3A_41, %sign3A_48 : i32
    %rem3A = arith.remsi %mul3A_12, %jit3A_35 : i32
    %ne3A_49 = arith.constant 0 : i32
    %ne3A_50 = arith.cmpi ne, %rem3A, %ne3A_49 : i32
    %and3A = arith.andi %ne3A, %ne3A_50 : i1
    %sub3A = arith.constant 1 : i32
    %sub3A_51 = arith.subi %div3A, %sub3A : i32
    %select_n3A_52 = arith.select %and3A, %sub3A_51, %div3A : i32
    %while3A = arith.constant 0 : i32
    %while3A_53 = arith.constant 1 : i32
    %while3A_54 = arith.subi %select_n3A_52, %while3A_53 : i32
    %while3A_55 = arith.addi %while3A_53, %while3A_54 : i32
    %while3A_56 = arith.constant 1 : i32
    %while3A_57 = arith.divsi %while3A_54, %while3A_56 : i32
    %while3A_58 = arith.muli %while3A_57, %while3A_56 : i32
    %while3A_59 = arith.addi %while3A_53, %while3A_58 : i32
    %while3A_60 = arith.constant 1 : i32
    scf.for %while3A_79 = %while3A_53 to %while3A_59 step %while3A_60  : i32 {
      %mul3A_80 = arith.constant 2 : i32
      %mul3A_81 = arith.muli %mul3A_80, %while3A_79 : i32
      %dma_wait3A_82 = arith.constant 0 : i32
      %dma_wait3A_83 = arith.constant 0 : i32
      %dma_wait3A_84 = arith.constant 0 : i32
      %dma_wait3A_85 = tpu.memref_slice %arg4[%dma_wait3A_82, %dma_wait3A_83, %dma_wait3A_84] : memref<1000x16x1024xf32, #tpu.memory_space<hbm>> -> memref<1x16x1024xf32, #tpu.memory_space<hbm>>
      %dma_wait3A_86 = tpu.memref_squeeze %dma_wait3A_85 : memref<1x16x1024xf32, #tpu.memory_space<hbm>> -> memref<16x1024xf32, #tpu.memory_space<hbm>>
      %dma_wait3A_87 = arith.constant 0 : i32
      %dma_wait3A_88 = arith.constant 0 : i32
      %dma_wait3A_89 = tpu.memref_slice %arg4[%dma_wait3A_82, %dma_wait3A_87, %dma_wait3A_88] : memref<1000x16x1024xf32, #tpu.memory_space<hbm>> -> memref<1x16x1024xf32, #tpu.memory_space<hbm>>
      %dma_wait3A_90 = tpu.memref_squeeze %dma_wait3A_89 : memref<1x16x1024xf32, #tpu.memory_space<hbm>> -> memref<16x1024xf32, #tpu.memory_space<hbm>>
      tpu.wait_dma2 semaphore(%arg9 : memref<!tpu.dma_semaphore, #tpu.memory_space<semaphore_mem>>) src(%arg7 : memref<16x1024xf32, #tpu.memory_space<vmem>>) dst(%dma_wait3A_90 : memref<16x1024xf32, #tpu.memory_space<hbm>>)
      %add3A_91 = arith.addi %multiple_of3A, %mul3A_81 : i32
      %dma_start3A_92 = arith.constant 0 : i32
      %dma_start3A_93 = arith.constant 0 : i32
      %dma_start3A_94 = tpu.memref_slice %arg4[%add3A_91, %dma_start3A_92, %dma_start3A_93] : memref<1000x16x1024xf32, #tpu.memory_space<hbm>> -> memref<1x16x1024xf32, #tpu.memory_space<hbm>>
      %dma_start3A_95 = tpu.memref_squeeze %dma_start3A_94 : memref<1x16x1024xf32, #tpu.memory_space<hbm>> -> memref<16x1024xf32, #tpu.memory_space<hbm>>
      %dma_start3A_96 = arith.constant 0 : i32
      %dma_start3A_97 = arith.constant 0 : i32
      %dma_start3A_98 = tpu.memref_slice %arg4[%add3A_91, %dma_start3A_96, %dma_start3A_97] : memref<1000x16x1024xf32, #tpu.memory_space<hbm>> -> memref<1x16x1024xf32, #tpu.memory_space<hbm>>
      %dma_start3A_99 = tpu.memref_squeeze %dma_start3A_98 : memref<1x16x1024xf32, #tpu.memory_space<hbm>> -> memref<16x1024xf32, #tpu.memory_space<hbm>>
      tpu.enqueue_dma source(%arg7 : memref<16x1024xf32, #tpu.memory_space<vmem>>) target(%dma_start3A_99 : memref<16x1024xf32, #tpu.memory_space<hbm>>) target_semaphore(%arg9 : memref<!tpu.dma_semaphore, #tpu.memory_space<semaphore_mem>>)
      %dma_wait3A_100 = arith.constant 0 : i32
      %dma_wait3A_101 = arith.constant 0 : i32
      %dma_wait3A_102 = arith.constant 0 : i32
      %dma_wait3A_103 = tpu.memref_slice %arg4[%dma_wait3A_100, %dma_wait3A_101, %dma_wait3A_102] : memref<1000x16x1024xf32, #tpu.memory_space<hbm>> -> memref<1x16x1024xf32, #tpu.memory_space<hbm>>
      %dma_wait3A_104 = tpu.memref_squeeze %dma_wait3A_103 : memref<1x16x1024xf32, #tpu.memory_space<hbm>> -> memref<16x1024xf32, #tpu.memory_space<hbm>>
      %dma_wait3A_105 = arith.constant 0 : i32
      %dma_wait3A_106 = arith.constant 0 : i32
      %dma_wait3A_107 = tpu.memref_slice %arg4[%dma_wait3A_100, %dma_wait3A_105, %dma_wait3A_106] : memref<1000x16x1024xf32, #tpu.memory_space<hbm>> -> memref<1x16x1024xf32, #tpu.memory_space<hbm>>
      %dma_wait3A_108 = tpu.memref_squeeze %dma_wait3A_107 : memref<1x16x1024xf32, #tpu.memory_space<hbm>> -> memref<16x1024xf32, #tpu.memory_space<hbm>>
      tpu.wait_dma2 semaphore(%arg10 : memref<!tpu.dma_semaphore, #tpu.memory_space<semaphore_mem>>) src(%arg8 : memref<16x1024xf32, #tpu.memory_space<vmem>>) dst(%dma_wait3A_108 : memref<16x1024xf32, #tpu.memory_space<hbm>>)
      %add3A_109 = arith.constant 1 : i32
      %add3A_110 = arith.addi %mul3A_81, %add3A_109 : i32
      %add3A_111 = arith.constant 1 : i32
      %add3A_112 = arith.addi %mul3A_81, %add3A_111 : i32
      %add3A_113 = arith.addi %multiple_of3A, %add3A_112 : i32
      %dma_start3A_114 = arith.constant 0 : i32
      %dma_start3A_115 = arith.constant 0 : i32
      %dma_start3A_116 = tpu.memref_slice %arg4[%add3A_113, %dma_start3A_114, %dma_start3A_115] : memref<1000x16x1024xf32, #tpu.memory_space<hbm>> -> memref<1x16x1024xf32, #tpu.memory_space<hbm>>
      %dma_start3A_117 = tpu.memref_squeeze %dma_start3A_116 : memref<1x16x1024xf32, #tpu.memory_space<hbm>> -> memref<16x1024xf32, #tpu.memory_space<hbm>>
      %dma_start3A_118 = arith.constant 0 : i32
      %dma_start3A_119 = arith.constant 0 : i32
      %dma_start3A_120 = tpu.memref_slice %arg4[%add3A_113, %dma_start3A_118, %dma_start3A_119] : memref<1000x16x1024xf32, #tpu.memory_space<hbm>> -> memref<1x16x1024xf32, #tpu.memory_space<hbm>>
      %dma_start3A_121 = tpu.memref_squeeze %dma_start3A_120 : memref<1x16x1024xf32, #tpu.memory_space<hbm>> -> memref<16x1024xf32, #tpu.memory_space<hbm>>
      tpu.enqueue_dma source(%arg8 : memref<16x1024xf32, #tpu.memory_space<vmem>>) target(%dma_start3A_121 : memref<16x1024xf32, #tpu.memory_space<hbm>>) target_semaphore(%arg10 : memref<!tpu.dma_semaphore, #tpu.memory_space<semaphore_mem>>)
    }
    %while3A_61 = arith.constant 1 : i32
    scf.for %while3A_79 = %while3A_59 to %while3A_55 step %while3A_61  : i32 {
      %mul3A_80 = arith.constant 2 : i32
      %mul3A_81 = arith.muli %mul3A_80, %while3A_79 : i32
      %dma_wait3A_82 = arith.constant 0 : i32
      %dma_wait3A_83 = arith.constant 0 : i32
      %dma_wait3A_84 = arith.constant 0 : i32
      %dma_wait3A_85 = tpu.memref_slice %arg4[%dma_wait3A_82, %dma_wait3A_83, %dma_wait3A_84] : memref<1000x16x1024xf32, #tpu.memory_space<hbm>> -> memref<1x16x1024xf32, #tpu.memory_space<hbm>>
      %dma_wait3A_86 = tpu.memref_squeeze %dma_wait3A_85 : memref<1x16x1024xf32, #tpu.memory_space<hbm>> -> memref<16x1024xf32, #tpu.memory_space<hbm>>
      %dma_wait3A_87 = arith.constant 0 : i32
      %dma_wait3A_88 = arith.constant 0 : i32
      %dma_wait3A_89 = tpu.memref_slice %arg4[%dma_wait3A_82, %dma_wait3A_87, %dma_wait3A_88] : memref<1000x16x1024xf32, #tpu.memory_space<hbm>> -> memref<1x16x1024xf32, #tpu.memory_space<hbm>>
      %dma_wait3A_90 = tpu.memref_squeeze %dma_wait3A_89 : memref<1x16x1024xf32, #tpu.memory_space<hbm>> -> memref<16x1024xf32, #tpu.memory_space<hbm>>
      tpu.wait_dma2 semaphore(%arg9 : memref<!tpu.dma_semaphore, #tpu.memory_space<semaphore_mem>>) src(%arg7 : memref<16x1024xf32, #tpu.memory_space<vmem>>) dst(%dma_wait3A_90 : memref<16x1024xf32, #tpu.memory_space<hbm>>)
      %add3A_91 = arith.addi %multiple_of3A, %mul3A_81 : i32
      %dma_start3A_92 = arith.constant 0 : i32
      %dma_start3A_93 = arith.constant 0 : i32
      %dma_start3A_94 = tpu.memref_slice %arg4[%add3A_91, %dma_start3A_92, %dma_start3A_93] : memref<1000x16x1024xf32, #tpu.memory_space<hbm>> -> memref<1x16x1024xf32, #tpu.memory_space<hbm>>
      %dma_start3A_95 = tpu.memref_squeeze %dma_start3A_94 : memref<1x16x1024xf32, #tpu.memory_space<hbm>> -> memref<16x1024xf32, #tpu.memory_space<hbm>>
      %dma_start3A_96 = arith.constant 0 : i32
      %dma_start3A_97 = arith.constant 0 : i32
      %dma_start3A_98 = tpu.memref_slice %arg4[%add3A_91, %dma_start3A_96, %dma_start3A_97] : memref<1000x16x1024xf32, #tpu.memory_space<hbm>> -> memref<1x16x1024xf32, #tpu.memory_space<hbm>>
      %dma_start3A_99 = tpu.memref_squeeze %dma_start3A_98 : memref<1x16x1024xf32, #tpu.memory_space<hbm>> -> memref<16x1024xf32, #tpu.memory_space<hbm>>
      tpu.enqueue_dma source(%arg7 : memref<16x1024xf32, #tpu.memory_space<vmem>>) target(%dma_start3A_99 : memref<16x1024xf32, #tpu.memory_space<hbm>>) target_semaphore(%arg9 : memref<!tpu.dma_semaphore, #tpu.memory_space<semaphore_mem>>)
      %dma_wait3A_100 = arith.constant 0 : i32
      %dma_wait3A_101 = arith.constant 0 : i32
      %dma_wait3A_102 = arith.constant 0 : i32
      %dma_wait3A_103 = tpu.memref_slice %arg4[%dma_wait3A_100, %dma_wait3A_101, %dma_wait3A_102] : memref<1000x16x1024xf32, #tpu.memory_space<hbm>> -> memref<1x16x1024xf32, #tpu.memory_space<hbm>>
      %dma_wait3A_104 = tpu.memref_squeeze %dma_wait3A_103 : memref<1x16x1024xf32, #tpu.memory_space<hbm>> -> memref<16x1024xf32, #tpu.memory_space<hbm>>
      %dma_wait3A_105 = arith.constant 0 : i32
      %dma_wait3A_106 = arith.constant 0 : i32
      %dma_wait3A_107 = tpu.memref_slice %arg4[%dma_wait3A_100, %dma_wait3A_105, %dma_wait3A_106] : memref<1000x16x1024xf32, #tpu.memory_space<hbm>> -> memref<1x16x1024xf32, #tpu.memory_space<hbm>>
      %dma_wait3A_108 = tpu.memref_squeeze %dma_wait3A_107 : memref<1x16x1024xf32, #tpu.memory_space<hbm>> -> memref<16x1024xf32, #tpu.memory_space<hbm>>
      tpu.wait_dma2 semaphore(%arg10 : memref<!tpu.dma_semaphore, #tpu.memory_space<semaphore_mem>>) src(%arg8 : memref<16x1024xf32, #tpu.memory_space<vmem>>) dst(%dma_wait3A_108 : memref<16x1024xf32, #tpu.memory_space<hbm>>)
      %add3A_109 = arith.constant 1 : i32
      %add3A_110 = arith.addi %mul3A_81, %add3A_109 : i32
      %add3A_111 = arith.constant 1 : i32
      %add3A_112 = arith.addi %mul3A_81, %add3A_111 : i32
      %add3A_113 = arith.addi %multiple_of3A, %add3A_112 : i32
      %dma_start3A_114 = arith.constant 0 : i32
      %dma_start3A_115 = arith.constant 0 : i32
      %dma_start3A_116 = tpu.memref_slice %arg4[%add3A_113, %dma_start3A_114, %dma_start3A_115] : memref<1000x16x1024xf32, #tpu.memory_space<hbm>> -> memref<1x16x1024xf32, #tpu.memory_space<hbm>>
      %dma_start3A_117 = tpu.memref_squeeze %dma_start3A_116 : memref<1x16x1024xf32, #tpu.memory_space<hbm>> -> memref<16x1024xf32, #tpu.memory_space<hbm>>
      %dma_start3A_118 = arith.constant 0 : i32
      %dma_start3A_119 = arith.constant 0 : i32
      %dma_start3A_120 = tpu.memref_slice %arg4[%add3A_113, %dma_start3A_118, %dma_start3A_119] : memref<1000x16x1024xf32, #tpu.memory_space<hbm>> -> memref<1x16x1024xf32, #tpu.memory_space<hbm>>
      %dma_start3A_121 = tpu.memref_squeeze %dma_start3A_120 : memref<1x16x1024xf32, #tpu.memory_space<hbm>> -> memref<16x1024xf32, #tpu.memory_space<hbm>>
      tpu.enqueue_dma source(%arg8 : memref<16x1024xf32, #tpu.memory_space<vmem>>) target(%dma_start3A_121 : memref<16x1024xf32, #tpu.memory_space<hbm>>) target_semaphore(%arg10 : memref<!tpu.dma_semaphore, #tpu.memory_space<semaphore_mem>>)
    }
    %dma_wait3A = arith.constant 0 : i32
    %dma_wait3A_62 = arith.constant 0 : i32
    %dma_wait3A_63 = arith.constant 0 : i32
    %dma_wait3A_64 = tpu.memref_slice %arg4[%dma_wait3A, %dma_wait3A_62, %dma_wait3A_63] : memref<1000x16x1024xf32, #tpu.memory_space<hbm>> -> memref<1x16x1024xf32, #tpu.memory_space<hbm>>
    %dma_wait3A_65 = tpu.memref_squeeze %dma_wait3A_64 : memref<1x16x1024xf32, #tpu.memory_space<hbm>> -> memref<16x1024xf32, #tpu.memory_space<hbm>>
    %dma_wait3A_66 = arith.constant 0 : i32
    %dma_wait3A_67 = arith.constant 0 : i32
    %dma_wait3A_68 = tpu.memref_slice %arg4[%dma_wait3A, %dma_wait3A_66, %dma_wait3A_67] : memref<1000x16x1024xf32, #tpu.memory_space<hbm>> -> memref<1x16x1024xf32, #tpu.memory_space<hbm>>
    %dma_wait3A_69 = tpu.memref_squeeze %dma_wait3A_68 : memref<1x16x1024xf32, #tpu.memory_space<hbm>> -> memref<16x1024xf32, #tpu.memory_space<hbm>>
    tpu.wait_dma2 semaphore(%arg9 : memref<!tpu.dma_semaphore, #tpu.memory_space<semaphore_mem>>) src(%arg7 : memref<16x1024xf32, #tpu.memory_space<vmem>>) dst(%dma_wait3A_69 : memref<16x1024xf32, #tpu.memory_space<hbm>>)
    %dma_wait3A_70 = arith.constant 0 : i32
    %dma_wait3A_71 = arith.constant 0 : i32
    %dma_wait3A_72 = arith.constant 0 : i32
    %dma_wait3A_73 = tpu.memref_slice %arg4[%dma_wait3A_70, %dma_wait3A_71, %dma_wait3A_72] : memref<1000x16x1024xf32, #tpu.memory_space<hbm>> -> memref<1x16x1024xf32, #tpu.memory_space<hbm>>
    %dma_wait3A_74 = tpu.memref_squeeze %dma_wait3A_73 : memref<1x16x1024xf32, #tpu.memory_space<hbm>> -> memref<16x1024xf32, #tpu.memory_space<hbm>>
    %dma_wait3A_75 = arith.constant 0 : i32
    %dma_wait3A_76 = arith.constant 0 : i32
    %dma_wait3A_77 = tpu.memref_slice %arg4[%dma_wait3A_70, %dma_wait3A_75, %dma_wait3A_76] : memref<1000x16x1024xf32, #tpu.memory_space<hbm>> -> memref<1x16x1024xf32, #tpu.memory_space<hbm>>
    %dma_wait3A_78 = tpu.memref_squeeze %dma_wait3A_77 : memref<1x16x1024xf32, #tpu.memory_space<hbm>> -> memref<16x1024xf32, #tpu.memory_space<hbm>>
    tpu.wait_dma2 semaphore(%arg10 : memref<!tpu.dma_semaphore, #tpu.memory_space<semaphore_mem>>) src(%arg8 : memref<16x1024xf32, #tpu.memory_space<vmem>>) dst(%dma_wait3A_78 : memref<16x1024xf32, #tpu.memory_space<hbm>>)
    return
  }
}

</mosaic_0001>

<sc_bundles>
// kernel: kernel.3.cloned.1.call-start
scs
__scs_entry_jumppad:
0x0: {  	(pc) =	sbr.rel $0x88, $3  }
0x1: {  	(tag) =	ssettag $0x0;
	lr =	simm.s32 $0x1  }
0x2: {  	[smem:$0x3F9F] =	sst lr;
	_ =	strace $0xD0000000  }
0x3: {  	_ = 	snop  }
0x4: {  	_ = 	snop  }
0x5: {  	_ = 	snop  }
0x6: {  	_ = 	snop  }
0x7: {  	_ = 	snop  }
__scs_overlays_trampoline_lowered:
0x8: {  	[smem:$0x3FAE] =	sst s0  }
0x9: {  	[smem:$0x3FAF] =	sst s1  }
0xa: {  	[smem:$0x3FB0] =	sst s2  }
0xb: {  	[smem:$0x3FB1] =	sst s3  }
0xc: {  	[smem:$0x3FB2] =	sst s4  }
0xd: {  	[smem:$0x3FB3] =	sst s5  }
0xe: {  	[smem:$0x3FB4] =	sst s6  }
0xf: {  	[smem:$0x3FB5] =	sst s7  }
0x10: {  	[smem:$0x3FB6] =	sst s8  }
0x11: {  	[smem:$0x3FB7] =	sst s9;
	s0 =	simm.s32 @!p0 $0x0  }
0x12: {  	s1 =	sld [smem:$0x3F9D];
	s0 =	simm.s32 @p0 $0x1  }
0x13: {  	[smem:$0x3FB8] =	sst s0;
	s0 =	simm.s32 @!p1 $0x0  }
0x14: {  	s2 =	sld [smem:$0x3F9C];
	s0 =	simm.s32 @p1 $0x1  }
0x15: {  	[smem:$0x3FB9] =	sst s0;
	s0 =	simm.s32 @!p2 $0x0  }
0x16: {  	s3 =	sld [smem:$0x3FDB];
	s0 =	simm.s32 @p2 $0x1  }
0x17: {  	s4 =	simm.s32 $0x1BF5;
	[smem:$0x3FBB] =	sst s0  }
0x18: {  	s0 =	sld [smem:$0x3F9E];
	_ =	swait.ge [sflag:s4], $0x0  }
0x19: {  	s7 =	sld [smem:$0x3F9F]  }
0x1a: {  	s8 =	sadd.s32 $0xFFFFE003, lr  }
0x1b: {  	s9 =	sadd.s32 $0xFFFFFEF7, lr;
	s5 =	simm.s32 $0xFFFFFFFF;
	p2 =	slt.u32 s8, $0xFFFFF086  }
0x1c: {  	p1 =	slt.u32 s9, $0xF7A;
	s5 =	simm.s32 @!p2 $0x0  }
0x1d: {  	s5 =	simm.s32 @p1 $0x1;
	p0 =	seq.s32 s7, s2  }
0x1e: {  	s7 =	smul.u32 @!p0 $0xF7A, s2;
	p2 =	seq.s32 @!p0 s5, $0x0  }
0x1f: {  	s9 =	smul.u32 $0xF7A, s1;
	s8 =	simm.s32 @!p0 $0x1BF5;
	p2 =	por !p2, p0  }
0x20: {  	[sflag:s8] =	ssyncset.s32 @!p0 $0xFFFFF086;
	s6 =	sadd.s32 @!p0 s3, s7;
	s7 =	simm.s32 @!p0 $0x108  }
0x21: {  	s3 =	sadd.s32 s3, s9;
	s6 =	sadd.s32 @!p0 $0x88, s6;
	s7 =	simm.s32 @p2 $0x1082  }
0x22: {  	[simem:s7], [sflag:s8] =	dma.local @!p0 [hbm:s6], $0xF7A  }
0x23: {  	s9 =	sor.u32 $0xD0000000, s2;
	s6 =	simm.s32 $0x108;
	_ =	swait.ge @!p0 [sflag:s8], $0x0  }
0x24: {  	s3 =	sadd.s32 $0x88, s3;
	s6 =	simm.s32 @!p1 $0x1082;
	[sflag:s4] =	ssyncset.s32 $0xFFFFF086  }
0x25: {  	[simem:s6], [sflag:s4] =	dma.local [hbm:s3], $0xF7A  }
0x26: {  	[smem:$0x3F9F] =	sst s1;
	(tag) =	ssettag s2;
	_ =	strace s9  }
0x27: {  	s1 =	sld [smem:$0x3FAF]  }
0x28: {  	s2 =	sld [smem:$0x3FB0]  }
0x29: {  	s4 =	sld [smem:$0x3FB2]  }
0x2a: {  	p0 =	seq.s32 s5, $0x0;
	s5 =	sld [smem:$0x3FB3]  }
0x2b: {  	s6 =	sld [smem:$0x3FB4]  }
0x2c: {  	s7 =	sld [smem:$0x3FB5]  }
0x2d: {  	s3 =	simm.s32 $0x108;
	s8 =	sld [smem:$0x3FB6]  }
0x2e: {  	s3 =	simm.s32 @!p0 $0x1082;
	s9 =	sld [smem:$0x3FB7]  }
0x2f: {  	lr =	sadd.s32 s0, s3;
	s0 =	sld [smem:$0x3FAE]  }
0x30: {  	s3 =	sld [smem:$0x3FB1]  }
0x31: {  	[smem:$0x3FBA] =	sst s10  }
0x32: {  	s10 =	sld [smem:$0x3FB8];
	_ =	sdelay $0x3  }
0x33: {  	p0 =	seq.s32 s10, $0x1;
	s10 =	sld [smem:$0x3FBA];
	_ =	sdelay $0x3  }
0x34: {  	[smem:$0x3FBA] =	sst s10  }
0x35: {  	s10 =	sld [smem:$0x3FB9];
	_ =	sdelay $0x3  }
0x36: {  	p1 =	seq.s32 s10, $0x1;
	s10 =	sld [smem:$0x3FBA];
	_ =	sdelay $0x3  }
0x37: {  	[smem:$0x3FBA] =	sst s10  }
0x38: {  	s10 =	sld [smem:$0x3FBB]  }
0x39: {  	_ = 	snop;
	(pc) =	sbr.ind lr, $3  }
0x3a: {  	_ = 	snop  }
0x3b: {  	_ = 	snop  }
0x3c: {  	p2 =	seq.s32 s10, $0x1;
	s10 =	sld [smem:$0x3FBA]  }
0x3d: {  	_ =	shalt  }
0x3e: {  	_ =	shalt  }
0x3f: {  	_ =	shalt  }
0x40: {  	_ =	shalt  }
0x41: {  	_ =	shalt  }
0x42: {  	_ =	shalt  }
0x43: {  	_ =	shalt  }
0x44: {  	_ =	shalt  }
0x45: {  	_ =	shalt  }
0x46: {  	_ =	shalt  }
0x47: {  	_ =	shalt  }
0x48: {  	_ =	shalt  }
0x49: {  	_ =	shalt  }
0x4a: {  	_ =	shalt  }
0x4b: {  	_ =	shalt  }
0x4c: {  	_ =	shalt  }
0x4d: {  	_ =	shalt  }
0x4e: {  	_ =	shalt  }
0x4f: {  	_ =	shalt  }
0x50: {  	_ =	shalt  }
0x51: {  	_ =	shalt  }
0x52: {  	_ =	shalt  }
0x53: {  	_ =	shalt  }
0x54: {  	_ =	shalt  }
0x55: {  	_ =	shalt  }
0x56: {  	_ =	shalt  }
0x57: {  	_ =	shalt  }
0x58: {  	_ =	shalt  }
0x59: {  	_ =	shalt  }
0x5a: {  	_ =	shalt  }
0x5b: {  	_ =	shalt  }
0x5c: {  	_ =	shalt  }
0x5d: {  	_ =	shalt  }
0x5e: {  	_ =	shalt  }
0x5f: {  	_ =	shalt  }
0x60: {  	_ =	shalt  }
0x61: {  	_ =	shalt  }
0x62: {  	_ =	shalt  }
0x63: {  	_ =	shalt  }
0x64: {  	_ =	shalt  }
0x65: {  	_ =	shalt  }
0x66: {  	_ =	shalt  }
0x67: {  	_ =	shalt  }
0x68: {  	_ =	shalt  }
0x69: {  	_ =	shalt  }
0x6a: {  	_ =	shalt  }
0x6b: {  	_ =	shalt  }
0x6c: {  	_ =	shalt  }
0x6d: {  	_ =	shalt  }
0x6e: {  	_ =	shalt  }
0x6f: {  	_ =	shalt  }
0x70: {  	_ =	shalt  }
0x71: {  	_ =	shalt  }
0x72: {  	_ =	shalt  }
0x73: {  	_ =	shalt  }
0x74: {  	_ =	shalt  }
0x75: {  	_ =	shalt  }
0x76: {  	_ =	shalt  }
0x77: {  	_ =	shalt  }
0x78: {  	_ =	shalt  }
0x79: {  	_ =	shalt  }
0x7a: {  	_ =	shalt  }
0x7b: {  	_ =	shalt  }
0x7c: {  	_ =	shalt  }
0x7d: {  	_ =	shalt  }
0x7e: {  	_ =	shalt  }
0x7f: {  	_ =	shalt  }
0x80: {  	_ =	shalt  }
0x81: {  	_ =	shalt  }
0x82: {  	_ =	shalt  }
0x83: {  	_ =	shalt  }
0x84: {  	_ =	shalt  }
0x85: {  	_ =	shalt  }
0x86: {  	_ =	shalt  }
0x87: {  	_ =	shalt  }
.Lfunc_end0:
.L_simem_size_0:
called_computation_lowered:
.L_overlay_start_0:
0x88: {  	s2 =	sld [smem:$0x3FD9]  }
0x89: {  	s3 =	sld [smem:$0x3FFE];
	_ =	sdelay $0x1  }
0x8a: {  	s1 =	srdreg.scid  }
0x8b: {  	s0 =	sand.u32 $0x1, s1  }
0x8c: {  	s17 =	sshll.u32 s0, $0xA;
	s2 =	sadd.s32 s3, s2  }
0x8d: {  	s2 =	sadd.s32 s2, s17  }
0x8e: {  	[smem:$0x3FC6] =	sst s2  }
0x8f: {  	_ = 	snop  }
0x90: {  	s2 =	sld [smem:$0x3FC9]  }
0x91: {  	s18 =	sld [smem:$0x3FD0];
	(tm) =	ssettm $0x1  }
0x92: {  	s4 =	sld [smem:$0x3FFB];
	_ =	sdelay $0x3  }
0x93: {  	_ =	strace s4  }
0x94: {  	s4 =	sld [smem:$0x3FFC];
	_ =	sdelay $0x3  }
0x95: {  	_ =	strace s4  }
0x96: {  	s4 =	sld [smem:$0x3FFD];
	_ =	sdelay $0x3  }
0x97: {  	_ =	strace s4  }
0x98: {  	_ =	strace $0x8FFFFFFF  }
0x99: {  	s19 =	sld [smem:$0x3FDB];
	_ =	sdelay $0x1  }
0x9a: {  	s5 =	simm.s32 $_scs_section_size  }
0x9b: {  	s6 =	simm.s32 $_size__tile_overlayer_lowered;
	s7 =	simm.s32 $_tile_overlayer_lowered  }
0x9c: {  	s22 =	simm.s32 $0x1BFF;
	s21 =	sshll.u32 s7, $0x1;
	s4 =	sadd.s32 s5, s19  }
0x9d: {  	s8 =	simm.s32 $0x0;
	s20 =	sshll.u32 s6, $0x1;
	s6 =	sadd.s32 s21, s4  }
0x9e: {  	[timem:s8], [sflag:s22] =	dma.local [hbm:s6], s20  }
0x9f: {  	_ =	swait.ge [sflag:s22], s20  }
0xa0: {  	s5 =	ssub.s32 $0x0, s20;
	[sflag:s22] =	ssyncset.done $0x0  }
0xa1: {  	[sflag:s22] =	ssyncadd.s32 s5;
	_ =	sdelay $0x1  }
0xa2: {  	s23 =	simm.s32 $0x1B8B  }
0xa3: {  	_ =	swait.ge [sflag:s23], $0x1  }
0xa4: {  	[sflag:s23] =	ssyncset.done $0x0  }
0xa5: {  	s25 =	simm.s32 $0x1B8E;
	s24 =	sld [smem:$0x3FFE];
	[sflag:s23] =	ssyncadd.s32 $0xFFFFFFFF  }
0xa6: {  	s26 =	simm.s32 $execute0_lowered;
	[smem:$0x3FD2] =	sst s25  }
0xa7: {  	s6 =	sshll.u32 s26, $0x1;
	_ =	strace $0x80000046;
	[dreg:$0x1] =	wrdreg $0xFFFFFFFF  }
0xa8: {  	s28 =	simm.s32 $_size_execute0_lowered;
	s4 =	sadd.s32 s4, s6;
	[dreg:$0x0] =	wrdreg $0x0  }
0xa9: {  	s6 =	sshll.u32 s28, $0x1;
	[dreg:$0x2] =	wrdreg s4  }
0xaa: {  	[dreg:$0x3] =	wrdreg s6  }
0xab: {  	[dreg:$0x4] =	wrdreg $0xC0  }
0xac: {  	_ =	task [dreg:s8], $0x5FFFF  }
0xad: {  	[dreg:$0x1] =	wrdreg $0xFFFFFFFF  }
0xae: {  	[dreg:$0x0] =	wrdreg $0x60  }
0xaf: {  	[dreg:$0x2] =	wrdreg s2  }
0xb0: {  	[dreg:$0x3] =	wrdreg s24  }
0xb1: {  	[dreg:$0x4] =	wrdreg s18  }
0xb2: {  	[dreg:$0x5] =	wrdreg $0x9  }
0xb3: {  	_ =	task.clear_ibuf [dreg:s8], $0x6FFFF;
	_ =	strace $0x90000046  }
0xb4: {  	s29 =	simm.s32 $0x9;
	_ =	strace $0x80000048  }
0xb5: {  	_ =	swait.ge [sflag:s29], $0x1  }
0xb6: {  	[sflag:s29] =	ssyncadd.s32 $0xFFFFFFFF  }
0xb7: {  	_ =	strace $0x90000048  }
0xb8: {  	_ =	sfence  }
0xb9: {  	s30 =	sld [smem:$0x0];
	_ =	sdelay $0x2  }
0xba: {  	s31 =	sshll.u32 s1, $0xD;
	s1 =	sshrl.u32 s1, $0x2  }
0xbb: {  	s3 =	sand.u32 $0x4000, s31;
	s1 =	sadd.s32 s1, s30  }
0xbc: {  	s0 =	sor.u32 s3, s0;
	s1 =	sshll.u32 s1, $0x11  }
0xbd: {  	s0 =	sor.u32 s1, s0  }
0xbe: {  	s0 =	sadd.s32 $0x8F2B, s0  }
0xbf: {  	[sflag:s0] =	ssyncadd.remote.s32 $0x1  }
0xc0: {  	_ =	sfence.sel $0xFFFF  }
0xc1: {  	[dreg:$0x0] =	wrdreg $0xFFFFFFFF;
	(pc) =	sbr.abs _section_cstart, $3  }
0xc2: {  	[dreg:$0x1] =	wrdreg $0xFFFFFFFF  }
0xc3: {  	_ =	task.clear_ibuf [dreg:s8], $0x2FFFF;
	_ =	strace $0x9FFFFFFF  }
0xc4: {  	(tm) =	ssettm $0x7FFFFFFF  }
0xc5: {  	_ =	shalt  }
tec
execute0_lowered:
.L_overlay_start_1:
0x0: {  	(tag) =	ssettag $0x1  }
0x1: {  	s6 =	rddreg [dreg:$0x0]  }
0x2: {  	s4 =	rddreg [dreg:$0x1]  }
0x3: {  	s1 =	srdreg.scid;
	s0 =	stileid.u32  }
0x4: {  	s2 =	rddreg [dreg:$0x2];
	s3 =	simm.s32 $0x0;
	s15 =	simm.s32 $0xFE80  }
0x5: {  	s16 =	simm.s32 $0x1;
	s17 =	simm.s32 $0x2;
	s18 =	simm.s32 $0x0  }
0x6: {  	s7 =	sand.u32 $0x1, s1;
	s5 =	sshll.u32 s0, $0x1;
	s1 =	rddreg [dreg:$0x3]  }
0x7: {  	[smem:$0x7FF] =	sst s3;
	s4 =	sadd.s32 $0x400, s4;
	s29 =	smul.u32 $0x6, s0  }
0x8: {  	s12 =	sor.u32 s7, s5;
	s28 =	ssub.s32 $0x2, s7;
	s14 =	smul.u32 $0x3, s7  }
0x9: {  	_ =	strace $0x80000047;
	s5 =	simm.s32 $0xF;
	s8 =	smul.u32 $0x3, s12  }
0xa: {  	s9 =	sshrl.u32 s28, $0x1;
	s10 =	smin.u32 s12, $0x1D;
	p0 =	slt.u32 s12, $0x1D  }
0xb: {  	s11 =	ssub.s32 s28, s9;
	s5 =	simm.s32 @!p0 $0xB;
	s9 =	sadd.s32 s29, s10  }
0xc: {  	p0 =	sgt.u32 s12, $0x1C;
	s12 =	simm.s32 $0x8000;
	s8 =	sadd.s32 s10, s8  }
0xd: {  	s30 =	sadd.s32 s14, s9;
	s10 =	smax.u32 s11, $0x1;
	s14 =	simm.s32 $0xBE80  }
0xe: {  	s13 =	sshll.u32 s8, $0xA;
	s8 =	sshll.u32 s8, $0xE;
	s31 =	sshll.u32 s30, $0xE  }
0xf: {  	s6 =	sadd.s32 s6, s13;
	s8 =	sadd.s32 s2, s8;
	s11 =	sor.u32 $0x1800, s31  }
0x10: {  	s13 =	simm.s32 $0x3;
	s7 =	sadd.s32 $0xC00, s6;
	s9 =	sadd.s32 $0x800, s8  }
.LBB2_1:
0x11: {  	[tilespmem:s12], [sflag:$0x3] =	stream.linear.gather [hbm4b:s4+s3], $0x3E80, $0x38;
	[tilespmem:$0x13E80] =	vst v63  }
0x12: {  	_ =	swait.ge [sflag:s13], $0x3E80  }
0x13: {  	[sflag:s13] =	ssyncset.done $0x0  }
0x14: {  	[sflag:s13] =	ssyncadd.s32 $0xFFFFC180  }
0x15: {  	[tilespmem:s3], [sflag:$0x3] =	stream.linear.gather [hbm4b:s6+s3], $0x6000, $0x38;
	[tilespmem:$0x13E80] =	vst v63  }
0x16: {  	_ =	swait.ge [sflag:s13], $0x6000  }
0x17: {  	[sflag:s13] =	ssyncset.done $0x0  }
0x18: {  	s19 =	simm.s32 @!p0 $0x0;
	s20 =	simm.s32 @!p0 $0x6000;
	[sflag:s13] =	ssyncadd.s32 $0xFFFFA000  }
0x19: {  	[tilespmem:s20], [sflag:$0x3] =	stream.linear.gather @!p0 [hbm4b:s7+s19], $0x2000, $0x38;
	[tilespmem:$0x13E80] =	vst v63  }
0x1a: {  	s19 =	simm.s32 @!p0 $0x3  }
0x1b: {  	_ =	swait.ge @!p0 [sflag:s19], $0x2000  }
0x1c: {  	[sflag:s19] =	ssyncset.done @!p0 $0x0  }
0x1d: {  	[sflag:s19] =	ssyncadd.s32 @!p0 $0xFFFFE000  }
0x1e: {  	[hbm4b:s8+s3] =	stream.linear.scatter [tilespmem:s14], [sflag:$0x1], $0x4000, $0x38;
	[tilespmem:$0x13E80] =	vst v63  }
0x1f: {  	_ = 	snop  }
0x20: {  	[hbm4b:s9+s3] =	stream.linear.scatter [tilespmem:s15], [sflag:$0x2], $0x4000, $0x38;
	[tilespmem:$0x13E80] =	vst v63  }
0x21: {  	s30 =	sadd.s32 $0xFFFFF800, s11;
	_ =	swait.ge [sflag:s16], $0x4000  }
0x22: {  	p1 =	sne.s32 s5, $0x1;
	s19 =	sand.u32 $0x1FFFF000, s30;
	[sflag:s16] =	ssyncset.done $0x0  }
.Ltmp0:
0x23: {  	s19 =	sadd.s32 s2, s19;
	[sflag:s16] =	ssyncadd.s32 $0xFFFFC000;
	(pc) =	sbr.rel @!p1 .LBB2_3-.Ltmp0, $4  }
0x24: {  	[hbm4b:s19+s3] =	stream.linear.scatter [tilespmem:s14], [sflag:$0x1], $0x4000, $0x38;
	[tilespmem:$0x13E80] =	vst v63  }
0x25: {  	s31 =	sand.u32 $0x1FFFF800, s11;
	_ =	swait.ge [sflag:s17], $0x4000  }
0x26: {  	s21 =	sadd.s32 s2, s31;
	[sflag:s17] =	ssyncset.done $0x0  }
0x27: {  	s20 =	sadd.s32 $0x1000, s11;
	s19 =	sadd.s32 $0xFFFFFFFF, s5;
	[sflag:s17] =	ssyncadd.s32 $0xFFFFC000  }
.LBB2_2:
0x28: {  	[hbm4b:s21+s3] =	stream.linear.scatter [tilespmem:s15], [sflag:$0x2], $0x4000, $0x38;
	[tilespmem:$0x13E80] =	vst v63  }
0x29: {  	s21 =	sadd.s32 $0xFFFFF800, s20;
	p1 =	sne.s32 s19, $0x1;
	_ =	swait.ge [sflag:s16], $0x4000  }
0x2a: {  	s19 =	sadd.s32 $0xFFFFFFFF, s19;
	s21 =	sand.u32 $0x1FFFF000, s21;
	[sflag:s16] =	ssyncset.done $0x0  }
.Ltmp1:
0x2b: {  	s21 =	sadd.s32 s2, s21;
	[sflag:s16] =	ssyncadd.s32 $0xFFFFC000;
	(pc) =	sbr.rel @p1 .LBB2_2-.Ltmp1, $4  }
0x2c: {  	[hbm4b:s21+s3] =	stream.linear.scatter [tilespmem:s14], [sflag:$0x1], $0x4000, $0x38;
	[tilespmem:$0x13E80] =	vst v63  }
0x2d: {  	_ =	swait.ge [sflag:s17], $0x4000  }
0x2e: {  	s21 =	sand.u32 $0x1FFFF800, s20;
	[sflag:s17] =	ssyncset.done $0x0  }
0x2f: {  	s20 =	sadd.s32 $0x1000, s20;
	s21 =	sadd.s32 s2, s21;
	[sflag:s17] =	ssyncadd.s32 $0xFFFFC000  }
.LBB2_3:
0x30: {  	[hbm4b:s21+s3] =	stream.linear.scatter [tilespmem:s15], [sflag:$0x2], $0x4000, $0x38;
	[tilespmem:$0x13E80] =	vst v63  }
0x31: {  	s18 =	sadd.s32 $0x1, s18  }
0x32: {  	_ =	swait.ge [sflag:s16], $0x4000;
	p1 =	sne.s32 s18, s10  }
.Ltmp2:
0x33: {  	[sflag:s16] =	ssyncset.done $0x0;
	(pc) =	sbr.rel @p1 .LBB2_1-.Ltmp2, $4  }
0x34: {  	[sflag:s16] =	ssyncadd.s32 $0xFFFFC000  }
0x35: {  	_ =	swait.ge [sflag:s17], $0x4000  }
0x36: {  	[sflag:s17] =	ssyncset.done $0x0  }
0x37: {  	[sflag:s17] =	ssyncadd.s32 $0xFFFFC000  }
0x38: {  	_ =	sfence.sel $0x180000  }
0x39: {  	[bflag:$0x0] =	sbarrier.arrive $0xFFFF  }
0x3a: {  	p0 =	sne.s32 s0, $0x0;
	_ =	strace $0x90000047  }
0x3b: {  	s0 =	sadd.s32 @!p0 $0x100000, s1;
	[bflag:$0x2] =	sbarrier.arrive $0xFFFF  }
0x3c: {  	[sflag:s0] =	ssyncadd.tile.s32 @!p0 $0x1;
	_ =	shalt  }
.Lfunc_end2:
_tile_overlayer_lowered:
.L_overlay_start_2:
0x3d: {  	(tag) =	ssettag $0x2  }
0x3e: {  	s0 =	rddreg [dreg:$0x0];
	s2 =	stileid.u32  }
0x3f: {  	s1 =	rddreg [dreg:$0x1];
	p0 =	sne.s32 s2, $0x0  }
0x40: {  	s3 =	rddreg [dreg:$0x2];
	[bflag:$0x3] =	sbarrier.arrive $0xFFFF;
	s2 =	simm.s32 @!p0 $0x1C03  }
0x41: {  	[timem:s3], [sflag:s2] =	dma.local @!p0 [hbm:s0], s1  }
0x42: {  	s0 =	simm.s32 @!p0 $0x3  }
0x43: {  	_ =	swait.ge @!p0 [sflag:s0], s1  }
0x44: {  	s1 =	ssub.s32 @!p0 $0x0, s1;
	[sflag:s0] =	ssyncset.done @!p0 $0x0  }
0x45: {  	[sflag:s0] =	ssyncadd.s32 @!p0 s1  }
0x46: {  	[bflag:$0x3] =	sbarrier.arrive $0xFFFF  }
0x47: {  	_ =	shalt  }

</sc_bundles>
